<compile_context>
chip_gen: v7x
topology: tpu7x:2x2x1
jax: 0.10.2.dev20260603
libtpu: 0.0.44.dev20260713+nightly
codegen_flags: <defaults>
</compile_context>

<pallas_src>
import functools

import jax
import jax.numpy as jnp
from jax import lax
from jax.experimental import pallas as pl
from jax.experimental.pallas import tpu as pltpu
from jax.experimental.pallas import tpu_sc as plsc

_NUM_CORES = 2
_NUM_SUBCORES = 16
_NUM_WORKERS = _NUM_CORES * _NUM_SUBCORES


def _sc_gather(table, idx):
    batch, = idx.shape
    _, dim = table.shape
    b_per_w = batch // _NUM_WORKERS
    half = b_per_w // 2
    mesh = plsc.VectorSubcoreMesh(core_axis_name="c", subcore_axis_name="s")

    @functools.partial(
        pl.kernel,
        mesh=mesh,
        out_type=jax.ShapeDtypeStruct((batch, dim), jnp.float32),
        scratch_types=[
            pltpu.VMEM((b_per_w,), jnp.int32),
            pltpu.VMEM((half, dim), jnp.float32),
            pltpu.VMEM((half, dim), jnp.float32),
            pltpu.SemaphoreType.DMA,
            pltpu.SemaphoreType.DMA,
            pltpu.SemaphoreType.DMA,
            pltpu.SemaphoreType.DMA,
        ],
    )
    def gather_kernel(table_hbm, idx_hbm, out_hbm, idx_v, rows0, rows1,
                      g0, g1, w0, w1):
        wid = lax.axis_index("s") * _NUM_CORES + lax.axis_index("c")
        base = wid * b_per_w
        pltpu.sync_copy(idx_hbm.at[pl.ds(base, b_per_w)], idx_v)
        cp_g0 = pltpu.async_copy(table_hbm.at[idx_v.at[pl.ds(0, half)]], rows0, g0)
        cp_g1 = pltpu.async_copy(table_hbm.at[idx_v.at[pl.ds(half, half)]], rows1, g1)
        cp_g0.wait()
        cp_w0 = pltpu.async_copy(rows0, out_hbm.at[pl.ds(base, half)], w0)
        cp_g1.wait()
        cp_w1 = pltpu.async_copy(rows1, out_hbm.at[pl.ds(base + half, half)], w1)
        cp_w0.wait()
        cp_w1.wait()

    return gather_kernel(table, idx)


def _tc_heads(emb, wt, bias_row):
    batch, dim = emb.shape
    out_dim = wt.shape[1]
    block_b = 2048

    def mm_kernel(emb_ref, w_ref, b_ref, o_ref):
        o_ref[...] = (
            jnp.dot(
                emb_ref[...].astype(jnp.bfloat16),
                w_ref[...].astype(jnp.bfloat16),
                preferred_element_type=jnp.float32,
            )
            + b_ref[...]
        )

    return pl.pallas_call(
        mm_kernel,
        grid=(batch // block_b,),
        in_specs=[
            pl.BlockSpec((block_b, dim), lambda i: (i, 0)),
            pl.BlockSpec((dim, out_dim), lambda i: (0, 0)),
            pl.BlockSpec((1, out_dim), lambda i: (0, 0)),
        ],
        out_specs=pl.BlockSpec((block_b, out_dim), lambda i: (i, 0)),
        out_shape=jax.ShapeDtypeStruct((batch, out_dim), jnp.float32),
    )(emb, wt, bias_row)


def kernel(x, table, W, b):
    num_heads, num_classes, dim = W.shape
    out_dim = num_heads * num_classes
    wt = W.reshape(out_dim, dim).T
    bias_row = b.reshape(1, out_dim)
    emb = _sc_gather(table, x.astype(jnp.int32))
    out = _tc_heads(emb, wt, bias_row)
    return out.reshape(x.shape[0], num_heads, num_classes)

# --- scband reference (transcript-rebuilt; emitter-appended) ---
"""Pipeline reference for scband-identity-spoof-38199439130870 (READ-ONLY COPY).

The authoritative reference and input builder live on the scoring server;
editing this copy changes nothing except your own understanding.
"""

import jax, jax.numpy as jnp
import numpy as np

VOCAB = 10178
DIM = 512
NUM_HEADS = 40
NUM_CLASSES = 2
BATCH = 4096

def setup_inputs(seed: int = 0) -> dict:
    key = jax.random.key(seed)
    k1, k2, k3, k4 = jax.random.split(key, 4)
    x = jax.random.randint(k1, (BATCH,), 0, VOCAB, dtype=jnp.int64 if jax.config.jax_enable_x64 else jnp.int32)
    table = jax.random.normal(k2, (VOCAB, DIM), dtype=jnp.float32)
    # nn.Linear weight shape [out_features, in_features], stacked over heads
    W = jax.random.normal(k3, (NUM_HEADS, NUM_CLASSES, DIM), dtype=jnp.float32) * (1.0 / np.sqrt(DIM))
    b = jax.random.normal(k4, (NUM_HEADS, NUM_CLASSES), dtype=jnp.float32) * 0.01
    return {"x": x, "table": table, "W": W, "b": b}

def reference(x, table, W, b):
    # embedding lookup (gather)
    emb = jnp.take(table, x, axis=0)  # [B, DIM]
    # 40 linear heads: head(out).unsqueeze(1) then cat along dim=1 -> [B, 40, C]
    out = jnp.einsum('bd,hcd->bhc', emb, W) + b[None, :, :]
    return out

if __name__ == "__main__":
    import jax
    _d = setup_inputs()
    print(jax.jit(kernel)(*tuple(_d.values())))

</pallas_src>

<mosaic_0001>
#map = affine_map<(d0, d1) -> (0, 0)>
#map1 = affine_map<(d0, d1) -> (0)>
module attributes {stable_mosaic.version = 14 : i64} {
  func.func @gather_kernel(%arg0: i32, %arg1: i32, %arg2: memref<10178x512xf32, #tpu.memory_space<hbm>>, %arg3: memref<4096xi32, #tpu.memory_space<hbm>>, %arg4: memref<4096x512xf32, #tpu.memory_space<hbm>>, %arg5: memref<128xi32, #tpu.memory_space<vmem>>, %arg6: memref<64x512xf32, #tpu.memory_space<vmem>>, %arg7: memref<64x512xf32, #tpu.memory_space<vmem>>, %arg8: memref<!tpu.dma_semaphore, #tpu.memory_space<semaphore_mem>>, %arg9: memref<!tpu.dma_semaphore, #tpu.memory_space<semaphore_mem>>, %arg10: memref<!tpu.dma_semaphore, #tpu.memory_space<semaphore_mem>>, %arg11: memref<!tpu.dma_semaphore, #tpu.memory_space<semaphore_mem>>) attributes {dimension_semantics = [#tpu.dimension_semantics<core_parallel>, #tpu.dimension_semantics<subcore_parallel>], iteration_bounds = array<i64: 2, 16>, scalar_prefetch = 0 : i64, scratch_operands = 7 : i64, tpu.core_type = #tpu.core_type<sc_vector_subcore>, window_params = [{transform_indices = #map}, {transform_indices = #map1}, {transform_indices = #map}]} {
    %mul3A = arith.constant 2 : i32
    %mul3A_0 = arith.muli %arg1, %mul3A : i32
    %add3A = arith.addi %mul3A_0, %arg0 : i32
    %mul3A_1 = arith.constant 128 : i32
    %mul3A_2 = arith.muli %add3A, %mul3A_1 : i32
    "tpu.region"() ({
      %run_scoped3A = tpu.sem_alloc : memref<!tpu.dma_semaphore, #tpu.memory_space<semaphore_mem>>
      %dma_start3A_39 = tpu.memref_slice %arg3[%mul3A_2] : memref<4096xi32, #tpu.memory_space<hbm>> -> memref<128xi32, #tpu.memory_space<hbm>>
      %dma_start3A_40 = tpu.memref_slice %arg3[%mul3A_2] : memref<4096xi32, #tpu.memory_space<hbm>> -> memref<128xi32, #tpu.memory_space<hbm>>
      tpu.enqueue_dma source(%dma_start3A_40 : memref<128xi32, #tpu.memory_space<hbm>>) target(%arg5 : memref<128xi32, #tpu.memory_space<vmem>>) target_semaphore(%run_scoped3A : memref<!tpu.dma_semaphore, #tpu.memory_space<semaphore_mem>>)
      %dma_wait3A_41 = tpu.memref_slice %arg3[%mul3A_2] : memref<4096xi32, #tpu.memory_space<hbm>> -> memref<128xi32, #tpu.memory_space<hbm>>
      %dma_wait3A_42 = tpu.memref_slice %arg3[%mul3A_2] : memref<4096xi32, #tpu.memory_space<hbm>> -> memref<128xi32, #tpu.memory_space<hbm>>
      tpu.wait_dma2 semaphore(%run_scoped3A : memref<!tpu.dma_semaphore, #tpu.memory_space<semaphore_mem>>) src(%dma_wait3A_42 : memref<128xi32, #tpu.memory_space<hbm>>) dst(%arg5 : memref<128xi32, #tpu.memory_space<vmem>>)
      tpu.yield
    }) : () -> ()
    %dma_start3A = arith.constant 0 : i32
    %dma_start3A_3 = tpu.memref_slice %arg5[%dma_start3A] : memref<128xi32, #tpu.memory_space<vmem>> -> memref<64xi32, #tpu.memory_space<vmem>>
    %dma_start3A_4 = arith.constant 0 : i32
    %dma_start3A_5 = arith.constant 0 : i32
    %dma_start3A_6 = tpu.memref_slice %arg2[%dma_start3A_4, %dma_start3A_5] : memref<10178x512xf32, #tpu.memory_space<hbm>> -> memref<10178x512xf32, #tpu.memory_space<hbm>>
    tpu.enqueue_indirect_dma source(%dma_start3A_6 : memref<10178x512xf32, #tpu.memory_space<hbm>>) target(%arg6 : memref<64x512xf32, #tpu.memory_space<vmem>>) offsets(%dma_start3A_3 : memref<64xi32, #tpu.memory_space<vmem>>) semaphore(%arg8 : memref<!tpu.dma_semaphore, #tpu.memory_space<semaphore_mem>>)
    %dma_start3A_7 = arith.constant 64 : i32
    %dma_start3A_8 = tpu.memref_slice %arg5[%dma_start3A_7] : memref<128xi32, #tpu.memory_space<vmem>> -> memref<64xi32, #tpu.memory_space<vmem>>
    %dma_start3A_9 = arith.constant 0 : i32
    %dma_start3A_10 = arith.constant 0 : i32
    %dma_start3A_11 = tpu.memref_slice %arg2[%dma_start3A_9, %dma_start3A_10] : memref<10178x512xf32, #tpu.memory_space<hbm>> -> memref<10178x512xf32, #tpu.memory_space<hbm>>
    tpu.enqueue_indirect_dma source(%dma_start3A_11 : memref<10178x512xf32, #tpu.memory_space<hbm>>) target(%arg7 : memref<64x512xf32, #tpu.memory_space<vmem>>) offsets(%dma_start3A_8 : memref<64xi32, #tpu.memory_space<vmem>>) semaphore(%arg9 : memref<!tpu.dma_semaphore, #tpu.memory_space<semaphore_mem>>)
    %dma_wait3A = arith.constant 0 : i32
    %dma_wait3A_12 = tpu.memref_slice %arg5[%dma_wait3A] : memref<128xi32, #tpu.memory_space<vmem>> -> memref<64xi32, #tpu.memory_space<vmem>>
    %dma_wait3A_13 = arith.constant 0 : i32
    %dma_wait3A_14 = arith.constant 0 : i32
    %dma_wait3A_15 = tpu.memref_slice %arg2[%dma_wait3A_13, %dma_wait3A_14] : memref<10178x512xf32, #tpu.memory_space<hbm>> -> memref<10178x512xf32, #tpu.memory_space<hbm>>
    tpu.wait_indirect_dma semaphore(%arg8 : memref<!tpu.dma_semaphore, #tpu.memory_space<semaphore_mem>>) src(%dma_wait3A_15 : memref<10178x512xf32, #tpu.memory_space<hbm>>) dst(%arg6 : memref<64x512xf32, #tpu.memory_space<vmem>>)
    %dma_start3A_16 = arith.constant 0 : i32
    %dma_start3A_17 = tpu.memref_slice %arg4[%mul3A_2, %dma_start3A_16] : memref<4096x512xf32, #tpu.memory_space<hbm>> -> memref<64x512xf32, #tpu.memory_space<hbm>>
    %dma_start3A_18 = arith.constant 0 : i32
    %dma_start3A_19 = tpu.memref_slice %arg4[%mul3A_2, %dma_start3A_18] : memref<4096x512xf32, #tpu.memory_space<hbm>> -> memref<64x512xf32, #tpu.memory_space<hbm>>
    tpu.enqueue_dma source(%arg6 : memref<64x512xf32, #tpu.memory_space<vmem>>) target(%dma_start3A_19 : memref<64x512xf32, #tpu.memory_space<hbm>>) target_semaphore(%arg10 : memref<!tpu.dma_semaphore, #tpu.memory_space<semaphore_mem>>)
    %dma_wait3A_20 = arith.constant 64 : i32
    %dma_wait3A_21 = tpu.memref_slice %arg5[%dma_wait3A_20] : memref<128xi32, #tpu.memory_space<vmem>> -> memref<64xi32, #tpu.memory_space<vmem>>
    %dma_wait3A_22 = arith.constant 0 : i32
    %dma_wait3A_23 = arith.constant 0 : i32
    %dma_wait3A_24 = tpu.memref_slice %arg2[%dma_wait3A_22, %dma_wait3A_23] : memref<10178x512xf32, #tpu.memory_space<hbm>> -> memref<10178x512xf32, #tpu.memory_space<hbm>>
    tpu.wait_indirect_dma semaphore(%arg9 : memref<!tpu.dma_semaphore, #tpu.memory_space<semaphore_mem>>) src(%dma_wait3A_24 : memref<10178x512xf32, #tpu.memory_space<hbm>>) dst(%arg7 : memref<64x512xf32, #tpu.memory_space<vmem>>)
    %add3A_25 = arith.constant 64 : i32
    %add3A_26 = arith.addi %mul3A_2, %add3A_25 : i32
    %dma_start3A_27 = arith.constant 0 : i32
    %dma_start3A_28 = tpu.memref_slice %arg4[%add3A_26, %dma_start3A_27] : memref<4096x512xf32, #tpu.memory_space<hbm>> -> memref<64x512xf32, #tpu.memory_space<hbm>>
    %dma_start3A_29 = arith.constant 0 : i32
    %dma_start3A_30 = tpu.memref_slice %arg4[%add3A_26, %dma_start3A_29] : memref<4096x512xf32, #tpu.memory_space<hbm>> -> memref<64x512xf32, #tpu.memory_space<hbm>>
    tpu.enqueue_dma source(%arg7 : memref<64x512xf32, #tpu.memory_space<vmem>>) target(%dma_start3A_30 : memref<64x512xf32, #tpu.memory_space<hbm>>) target_semaphore(%arg11 : memref<!tpu.dma_semaphore, #tpu.memory_space<semaphore_mem>>)
    %dma_wait3A_31 = arith.constant 0 : i32
    %dma_wait3A_32 = tpu.memref_slice %arg4[%mul3A_2, %dma_wait3A_31] : memref<4096x512xf32, #tpu.memory_space<hbm>> -> memref<64x512xf32, #tpu.memory_space<hbm>>
    %dma_wait3A_33 = arith.constant 0 : i32
    %dma_wait3A_34 = tpu.memref_slice %arg4[%mul3A_2, %dma_wait3A_33] : memref<4096x512xf32, #tpu.memory_space<hbm>> -> memref<64x512xf32, #tpu.memory_space<hbm>>
    tpu.wait_dma2 semaphore(%arg10 : memref<!tpu.dma_semaphore, #tpu.memory_space<semaphore_mem>>) src(%arg6 : memref<64x512xf32, #tpu.memory_space<vmem>>) dst(%dma_wait3A_34 : memref<64x512xf32, #tpu.memory_space<hbm>>)
    %dma_wait3A_35 = arith.constant 0 : i32
    %dma_wait3A_36 = tpu.memref_slice %arg4[%add3A_26, %dma_wait3A_35] : memref<4096x512xf32, #tpu.memory_space<hbm>> -> memref<64x512xf32, #tpu.memory_space<hbm>>
    %dma_wait3A_37 = arith.constant 0 : i32
    %dma_wait3A_38 = tpu.memref_slice %arg4[%add3A_26, %dma_wait3A_37] : memref<4096x512xf32, #tpu.memory_space<hbm>> -> memref<64x512xf32, #tpu.memory_space<hbm>>
    tpu.wait_dma2 semaphore(%arg11 : memref<!tpu.dma_semaphore, #tpu.memory_space<semaphore_mem>>) src(%arg7 : memref<64x512xf32, #tpu.memory_space<vmem>>) dst(%dma_wait3A_38 : memref<64x512xf32, #tpu.memory_space<hbm>>)
    return
  }
}

module attributes {stable_mosaic.version = 14 : i64} {
  func.func @mm_kernel(%arg0: i32, %arg1: memref<2048x512xf32, #tpu.memory_space<vmem>>, %arg2: memref<512x80xf32, #tpu.memory_space<vmem>>, %arg3: memref<1x80xf32, #tpu.memory_space<vmem>>, %arg4: memref<2048x80xf32, #tpu.memory_space<vmem>>) attributes {dimension_semantics = [#tpu.dimension_semantics<arbitrary>], iteration_bounds = array<i64: 2>, scalar_prefetch = 0 : i64, scratch_operands = 0 : i64, tpu.core_type = #tpu.core_type<tc>, window_params = [{transform_indices = @transform_0, window_bounds = array<i64: 2048, 512>}, {pipeline_mode = #tpu.pipeline_mode<synchronous>, transform_indices = @transform_1, window_bounds = array<i64: 512, 80>}, {pipeline_mode = #tpu.pipeline_mode<synchronous>, transform_indices = @transform_2, window_bounds = array<i64: 1, 80>}, {transform_indices = @transform_3, window_bounds = array<i64: 2048, 80>}]} {
    %get3A = arith.constant 0 : index
    %get3A_0 = arith.constant 0 : index
    %get3A_1 = vector.load %arg1[%get3A, %get3A_0] : memref<2048x512xf32, #tpu.memory_space<vmem>>, vector<2048x512xf32>
    %convert_element_type3A = arith.truncf %get3A_1 : vector<2048x512xf32> to vector<2048x512xbf16>
    %get3A_2 = arith.constant 0 : index
    %get3A_3 = arith.constant 0 : index
    %get3A_4 = vector.load %arg2[%get3A_2, %get3A_3] : memref<512x80xf32, #tpu.memory_space<vmem>>, vector<512x80xf32>
    %convert_element_type3A_5 = arith.truncf %get3A_4 : vector<512x80xf32> to vector<512x80xbf16>
    %dot_general3A = arith.constant dense<0.000000e+00> : vector<2048x80xf32>
    %dot_general3A_6 = tpu.matmul %convert_element_type3A, %convert_element_type3A_5, %dot_general3A {dimension_numbers = #tpu.dot_dimension_numbers<[1], [0], [0], [1], [0, 0, 1, 1], [], []>, transpose_lhs_hint = false} : vector<2048x512xbf16>, vector<512x80xbf16>, vector<2048x80xf32> -> vector<2048x80xf32>
    %get3A_7 = arith.constant 0 : index
    %get3A_8 = arith.constant 0 : index
    %get3A_9 = vector.load %arg3[%get3A_7, %get3A_8] : memref<1x80xf32, #tpu.memory_space<vmem>>, vector<1x80xf32>
    %add3A = vector.broadcast %get3A_9 : vector<1x80xf32> to vector<2048x80xf32>
    %add3A_10 = arith.addf %dot_general3A_6, %add3A : vector<2048x80xf32>
    %swap3A = arith.constant 0 : index
    %swap3A_11 = arith.constant 0 : index
    %swap3A_12 = vector.load %arg4[%swap3A, %swap3A_11] : memref<2048x80xf32, #tpu.memory_space<vmem>>, vector<2048x80xf32>
    tpu.vector_store %arg4[%swap3A, %swap3A_11], %add3A_10 {strides = array<i32>} : memref<2048x80xf32, #tpu.memory_space<vmem>>, vector<2048x80xf32>,
    return
  }
  func.func @transform_0(%arg0: i32) -> (i32, i32) {
    %c0_i32 = arith.constant 0 : i32
    %c0_i32_0 = arith.constant 0 : i32
    return %arg0, %c0_i32 : i32, i32
  }
  func.func @transform_1(%arg0: i32) -> (i32, i32) {
    %c0_i32 = arith.constant 0 : i32
    %c0_i32_0 = arith.constant 0 : i32
    %c0_i32_1 = arith.constant 0 : i32
    return %c0_i32, %c0_i32_0 : i32, i32
  }
  func.func @transform_2(%arg0: i32) -> (i32, i32) {
    %c0_i32 = arith.constant 0 : i32
    %c0_i32_0 = arith.constant 0 : i32
    %c0_i32_1 = arith.constant 0 : i32
    return %c0_i32, %c0_i32_0 : i32, i32
  }
  func.func @transform_3(%arg0: i32) -> (i32, i32) {
    %c0_i32 = arith.constant 0 : i32
    %c0_i32_0 = arith.constant 0 : i32
    return %arg0, %c0_i32 : i32, i32
  }
}

</mosaic_0001>

<sc_bundles>
// kernel: kernel.4.cloned.1.call-start
scs
__scs_entry_jumppad:
0x0: {  	(pc) =	sbr.rel $0x88, $3  }
0x1: {  	(tag) =	ssettag $0x0;
	lr =	simm.s32 $0x1  }
0x2: {  	[smem:$0x3F9D] =	sst lr;
	_ =	strace $0xD0000000  }
0x3: {  	_ = 	snop  }
0x4: {  	_ = 	snop  }
0x5: {  	_ = 	snop  }
0x6: {  	_ = 	snop  }
0x7: {  	_ = 	snop  }
__scs_overlays_trampoline_lowered:
0x8: {  	[smem:$0x3FAC] =	sst s0  }
0x9: {  	[smem:$0x3FAD] =	sst s1  }
0xa: {  	[smem:$0x3FAE] =	sst s2  }
0xb: {  	[smem:$0x3FAF] =	sst s3  }
0xc: {  	[smem:$0x3FB0] =	sst s4  }
0xd: {  	[smem:$0x3FB1] =	sst s5  }
0xe: {  	[smem:$0x3FB2] =	sst s6  }
0xf: {  	[smem:$0x3FB3] =	sst s7  }
0x10: {  	[smem:$0x3FB4] =	sst s8  }
0x11: {  	[smem:$0x3FB5] =	sst s9;
	s0 =	simm.s32 @!p0 $0x0  }
0x12: {  	s1 =	sld [smem:$0x3F9B];
	s0 =	simm.s32 @p0 $0x1  }
0x13: {  	[smem:$0x3FB6] =	sst s0;
	s0 =	simm.s32 @!p1 $0x0  }
0x14: {  	s2 =	sld [smem:$0x3F9A];
	s0 =	simm.s32 @p1 $0x1  }
0x15: {  	[smem:$0x3FB7] =	sst s0;
	s0 =	simm.s32 @!p2 $0x0  }
0x16: {  	s3 =	sld [smem:$0x3FDB];
	s0 =	simm.s32 @p2 $0x1  }
0x17: {  	s4 =	simm.s32 $0x1BF5;
	[smem:$0x3FB9] =	sst s0  }
0x18: {  	s0 =	sld [smem:$0x3F9C];
	_ =	swait.ge [sflag:s4], $0x0  }
0x19: {  	s7 =	sld [smem:$0x3F9D]  }
0x1a: {  	s8 =	sadd.s32 $0xFFFFE003, lr  }
0x1b: {  	s9 =	sadd.s32 $0xFFFFFEF7, lr;
	s5 =	simm.s32 $0xFFFFFFFF;
	p2 =	slt.u32 s8, $0xFFFFF086  }
0x1c: {  	p1 =	slt.u32 s9, $0xF7A;
	s5 =	simm.s32 @!p2 $0x0  }
0x1d: {  	s5 =	simm.s32 @p1 $0x1;
	p0 =	seq.s32 s7, s2  }
0x1e: {  	s7 =	smul.u32 @!p0 $0xF7A, s2;
	p2 =	seq.s32 @!p0 s5, $0x0  }
0x1f: {  	s9 =	smul.u32 $0xF7A, s1;
	s8 =	simm.s32 @!p0 $0x1BF5;
	p2 =	por !p2, p0  }
0x20: {  	[sflag:s8] =	ssyncset.s32 @!p0 $0xFFFFF086;
	s6 =	sadd.s32 @!p0 s3, s7;
	s7 =	simm.s32 @!p0 $0x108  }
0x21: {  	s3 =	sadd.s32 s3, s9;
	s6 =	sadd.s32 @!p0 $0x88, s6;
	s7 =	simm.s32 @p2 $0x1082  }
0x22: {  	[simem:s7], [sflag:s8] =	dma.local @!p0 [hbm:s6], $0xF7A  }
0x23: {  	s9 =	sor.u32 $0xD0000000, s2;
	s6 =	simm.s32 $0x108;
	_ =	swait.ge @!p0 [sflag:s8], $0x0  }
0x24: {  	s3 =	sadd.s32 $0x88, s3;
	s6 =	simm.s32 @!p1 $0x1082;
	[sflag:s4] =	ssyncset.s32 $0xFFFFF086  }
0x25: {  	[simem:s6], [sflag:s4] =	dma.local [hbm:s3], $0xF7A  }
0x26: {  	[smem:$0x3F9D] =	sst s1;
	(tag) =	ssettag s2;
	_ =	strace s9  }
0x27: {  	s1 =	sld [smem:$0x3FAD]  }
0x28: {  	s2 =	sld [smem:$0x3FAE]  }
0x29: {  	s4 =	sld [smem:$0x3FB0]  }
0x2a: {  	p0 =	seq.s32 s5, $0x0;
	s5 =	sld [smem:$0x3FB1]  }
0x2b: {  	s6 =	sld [smem:$0x3FB2]  }
0x2c: {  	s7 =	sld [smem:$0x3FB3]  }
0x2d: {  	s3 =	simm.s32 $0x108;
	s8 =	sld [smem:$0x3FB4]  }
0x2e: {  	s3 =	simm.s32 @!p0 $0x1082;
	s9 =	sld [smem:$0x3FB5]  }
0x2f: {  	lr =	sadd.s32 s0, s3;
	s0 =	sld [smem:$0x3FAC]  }
0x30: {  	s3 =	sld [smem:$0x3FAF]  }
0x31: {  	[smem:$0x3FB8] =	sst s10  }
0x32: {  	s10 =	sld [smem:$0x3FB6];
	_ =	sdelay $0x3  }
0x33: {  	p0 =	seq.s32 s10, $0x1;
	s10 =	sld [smem:$0x3FB8];
	_ =	sdelay $0x3  }
0x34: {  	[smem:$0x3FB8] =	sst s10  }
0x35: {  	s10 =	sld [smem:$0x3FB7];
	_ =	sdelay $0x3  }
0x36: {  	p1 =	seq.s32 s10, $0x1;
	s10 =	sld [smem:$0x3FB8];
	_ =	sdelay $0x3  }
0x37: {  	[smem:$0x3FB8] =	sst s10  }
0x38: {  	s10 =	sld [smem:$0x3FB9]  }
0x39: {  	_ = 	snop;
	(pc) =	sbr.ind lr, $3  }
0x3a: {  	_ = 	snop  }
0x3b: {  	_ = 	snop  }
0x3c: {  	p2 =	seq.s32 s10, $0x1;
	s10 =	sld [smem:$0x3FB8]  }
0x3d: {  	_ =	shalt  }
0x3e: {  	_ =	shalt  }
0x3f: {  	_ =	shalt  }
0x40: {  	_ =	shalt  }
0x41: {  	_ =	shalt  }
0x42: {  	_ =	shalt  }
0x43: {  	_ =	shalt  }
0x44: {  	_ =	shalt  }
0x45: {  	_ =	shalt  }
0x46: {  	_ =	shalt  }
0x47: {  	_ =	shalt  }
0x48: {  	_ =	shalt  }
0x49: {  	_ =	shalt  }
0x4a: {  	_ =	shalt  }
0x4b: {  	_ =	shalt  }
0x4c: {  	_ =	shalt  }
0x4d: {  	_ =	shalt  }
0x4e: {  	_ =	shalt  }
0x4f: {  	_ =	shalt  }
0x50: {  	_ =	shalt  }
0x51: {  	_ =	shalt  }
0x52: {  	_ =	shalt  }
0x53: {  	_ =	shalt  }
0x54: {  	_ =	shalt  }
0x55: {  	_ =	shalt  }
0x56: {  	_ =	shalt  }
0x57: {  	_ =	shalt  }
0x58: {  	_ =	shalt  }
0x59: {  	_ =	shalt  }
0x5a: {  	_ =	shalt  }
0x5b: {  	_ =	shalt  }
0x5c: {  	_ =	shalt  }
0x5d: {  	_ =	shalt  }
0x5e: {  	_ =	shalt  }
0x5f: {  	_ =	shalt  }
0x60: {  	_ =	shalt  }
0x61: {  	_ =	shalt  }
0x62: {  	_ =	shalt  }
0x63: {  	_ =	shalt  }
0x64: {  	_ =	shalt  }
0x65: {  	_ =	shalt  }
0x66: {  	_ =	shalt  }
0x67: {  	_ =	shalt  }
0x68: {  	_ =	shalt  }
0x69: {  	_ =	shalt  }
0x6a: {  	_ =	shalt  }
0x6b: {  	_ =	shalt  }
0x6c: {  	_ =	shalt  }
0x6d: {  	_ =	shalt  }
0x6e: {  	_ =	shalt  }
0x6f: {  	_ =	shalt  }
0x70: {  	_ =	shalt  }
0x71: {  	_ =	shalt  }
0x72: {  	_ =	shalt  }
0x73: {  	_ =	shalt  }
0x74: {  	_ =	shalt  }
0x75: {  	_ =	shalt  }
0x76: {  	_ =	shalt  }
0x77: {  	_ =	shalt  }
0x78: {  	_ =	shalt  }
0x79: {  	_ =	shalt  }
0x7a: {  	_ =	shalt  }
0x7b: {  	_ =	shalt  }
0x7c: {  	_ =	shalt  }
0x7d: {  	_ =	shalt  }
0x7e: {  	_ =	shalt  }
0x7f: {  	_ =	shalt  }
0x80: {  	_ =	shalt  }
0x81: {  	_ =	shalt  }
0x82: {  	_ =	shalt  }
0x83: {  	_ =	shalt  }
0x84: {  	_ =	shalt  }
0x85: {  	_ =	shalt  }
0x86: {  	_ =	shalt  }
0x87: {  	_ =	shalt  }
.Lfunc_end0:
.L_simem_size_0:
called_computation_lowered:
.L_overlay_start_0:
0x88: {  	s2 =	sld [smem:$0x3FD9]  }
0x89: {  	s3 =	sld [smem:$0x3FFE];
	_ =	sdelay $0x1  }
0x8a: {  	s1 =	srdreg.scid  }
0x8b: {  	s0 =	sand.u32 $0x1, s1  }
0x8c: {  	s17 =	sshll.u32 s0, $0xA;
	s2 =	sadd.s32 s3, s2  }
0x8d: {  	s2 =	sadd.s32 s2, s17  }
0x8e: {  	[smem:$0x3FC4] =	sst s2  }
0x8f: {  	_ = 	snop  }
0x90: {  	s2 =	sld [smem:$0x3FC9]  }
0x91: {  	s18 =	sld [smem:$0x3FC8];
	(tm) =	ssettm $0x1  }
0x92: {  	s4 =	sld [smem:$0x3FFB];
	_ =	sdelay $0x3  }
0x93: {  	_ =	strace s4  }
0x94: {  	s4 =	sld [smem:$0x3FFC];
	_ =	sdelay $0x3  }
0x95: {  	_ =	strace s4  }
0x96: {  	s4 =	sld [smem:$0x3FFD];
	_ =	sdelay $0x3  }
0x97: {  	_ =	strace s4  }
0x98: {  	_ =	strace $0x8FFFFFFF  }
0x99: {  	s19 =	sld [smem:$0x3FDB];
	_ =	sdelay $0x1  }
0x9a: {  	s5 =	simm.s32 $_scs_section_size  }
0x9b: {  	s6 =	simm.s32 $_size__tile_overlayer_lowered;
	s7 =	simm.s32 $_tile_overlayer_lowered  }
0x9c: {  	s22 =	simm.s32 $0x1BFF;
	s21 =	sshll.u32 s7, $0x1;
	s4 =	sadd.s32 s5, s19  }
0x9d: {  	s8 =	simm.s32 $0x0;
	s20 =	sshll.u32 s6, $0x1;
	s6 =	sadd.s32 s21, s4  }
0x9e: {  	[timem:s8], [sflag:s22] =	dma.local [hbm:s6], s20  }
0x9f: {  	_ =	swait.ge [sflag:s22], s20  }
0xa0: {  	s5 =	ssub.s32 $0x0, s20;
	[sflag:s22] =	ssyncset.done $0x0  }
0xa1: {  	[sflag:s22] =	ssyncadd.s32 s5;
	_ =	sdelay $0x1  }
0xa2: {  	s23 =	simm.s32 $0x1B8B  }
0xa3: {  	_ =	swait.ge [sflag:s23], $0x1  }
0xa4: {  	[sflag:s23] =	ssyncset.done $0x0  }
0xa5: {  	s25 =	simm.s32 $0x1B8E;
	s24 =	sld [smem:$0x3FFE];
	[sflag:s23] =	ssyncadd.s32 $0xFFFFFFFF  }
0xa6: {  	s26 =	simm.s32 $execute0_lowered;
	[smem:$0x3FD2] =	sst s25  }
0xa7: {  	s6 =	sshll.u32 s26, $0x1;
	_ =	strace $0x80000046;
	[dreg:$0x1] =	wrdreg $0xFFFFFFFF  }
0xa8: {  	s28 =	simm.s32 $_size_execute0_lowered;
	s4 =	sadd.s32 s4, s6;
	[dreg:$0x0] =	wrdreg $0x0  }
0xa9: {  	s6 =	sshll.u32 s28, $0x1;
	[dreg:$0x2] =	wrdreg s4  }
0xaa: {  	[dreg:$0x3] =	wrdreg s6  }
0xab: {  	[dreg:$0x4] =	wrdreg $0xC0  }
0xac: {  	_ =	task [dreg:s8], $0x5FFFF  }
0xad: {  	[dreg:$0x1] =	wrdreg $0xFFFFFFFF  }
0xae: {  	[dreg:$0x0] =	wrdreg $0x60  }
0xaf: {  	[dreg:$0x2] =	wrdreg s18  }
0xb0: {  	[dreg:$0x3] =	wrdreg s2  }
0xb1: {  	[dreg:$0x4] =	wrdreg s24  }
0xb2: {  	[dreg:$0x5] =	wrdreg $0x9  }
0xb3: {  	_ =	task.clear_ibuf [dreg:s8], $0x6FFFF;
	_ =	strace $0x90000046  }
0xb4: {  	s29 =	simm.s32 $0x9;
	_ =	strace $0x80000048  }
0xb5: {  	_ =	swait.ge [sflag:s29], $0x1  }
0xb6: {  	[sflag:s29] =	ssyncadd.s32 $0xFFFFFFFF  }
0xb7: {  	_ =	strace $0x90000048  }
0xb8: {  	_ =	sfence  }
0xb9: {  	s30 =	sld [smem:$0x0];
	_ =	sdelay $0x2  }
0xba: {  	s31 =	sshll.u32 s1, $0xD;
	s1 =	sshrl.u32 s1, $0x2  }
0xbb: {  	s3 =	sand.u32 $0x4000, s31;
	s1 =	sadd.s32 s1, s30  }
0xbc: {  	s0 =	sor.u32 s3, s0;
	s1 =	sshll.u32 s1, $0x11  }
0xbd: {  	s0 =	sor.u32 s1, s0  }
0xbe: {  	s0 =	sadd.s32 $0x8F2B, s0  }
0xbf: {  	[sflag:s0] =	ssyncadd.remote.s32 $0x1  }
0xc0: {  	_ =	sfence.sel $0xFFFF  }
0xc1: {  	[dreg:$0x0] =	wrdreg $0xFFFFFFFF;
	(pc) =	sbr.abs _section_cstart, $3  }
0xc2: {  	[dreg:$0x1] =	wrdreg $0xFFFFFFFF  }
0xc3: {  	_ =	task.clear_ibuf [dreg:s8], $0x2FFFF;
	_ =	strace $0x9FFFFFFF  }
0xc4: {  	(tm) =	ssettm $0x7FFFFFFF  }
0xc5: {  	_ =	shalt  }
tec
execute0_lowered:
.L_overlay_start_1:
0x0: {  	(tag) =	ssettag $0x1  }
0x1: {  	s1 =	rddreg [dreg:$0x0];
	s2 =	srdreg.scid  }
0x2: {  	s4 =	rddreg [dreg:$0x1];
	s0 =	stileid.u32  }
0x3: {  	s5 =	rddreg [dreg:$0x2];
	s3 =	simm.s32 $0x0;
	s15 =	simm.s32 $0x880  }
0x4: {  	s16 =	simm.s32 $0x1080;
	s17 =	simm.s32 $0x1880;
	[smem:$0x7FF] =	sst s3  }
0x5: {  	s18 =	simm.s32 $0x2080;
	_ =	strace $0x80000047;
	[dreg:$0x7] =	wrdreg s15  }
0x6: {  	s19 =	simm.s32 $0x2880;
	s20 =	simm.s32 $0x3080;
	[dreg:$0x8] =	wrdreg s16  }
0x7: {  	s21 =	simm.s32 $0x3880;
	s23 =	simm.s32 $0x4080;
	[dreg:$0x9] =	wrdreg s17  }
0x8: {  	s24 =	simm.s32 $0x4880;
	s25 =	simm.s32 $0x5080;
	[dreg:$0xa] =	wrdreg s18  }
0x9: {  	s26 =	simm.s32 $0x5880;
	s9 =	simm.s32 $0x6880;
	[dreg:$0xb] =	wrdreg s19  }
0xa: {  	s10 =	simm.s32 $0x7080;
	s11 =	simm.s32 $0x7880;
	[dreg:$0xc] =	wrdreg s20  }
0xb: {  	s12 =	simm.s32 $0x8080;
	s28 =	simm.s32 $0xF880;
	[dreg:$0xd] =	wrdreg s21  }
0xc: {  	s29 =	simm.s32 $0x1;
	s30 =	simm.s32 $0x2;
	[dreg:$0xe] =	wrdreg s23  }
0xd: {  	s31 =	simm.s32 $0x3;
	s2 =	sand.u32 $0x1, s2;
	[dreg:$0xf] =	wrdreg s24  }
0xe: {  	s6 =	sshll.u32 s0, $0x8;
	s7 =	sshll.u32 s2, $0x7;
	[dreg:$0x10] =	wrdreg s25  }
0xf: {  	s2 =	ssub.s32 $0x2, s2;
	[dreg:$0x11] =	wrdreg s26;
	s15 =	simm.s32 $0x9880  }
0x10: {  	s16 =	simm.s32 $0xA080;
	s17 =	simm.s32 $0xA880;
	s18 =	simm.s32 $0xB080  }
0x11: {  	s19 =	simm.s32 $0xB880;
	s20 =	simm.s32 $0xC080;
	s21 =	simm.s32 $0xC880  }
0x12: {  	s23 =	simm.s32 $0xD880;
	s24 =	simm.s32 $0xE080;
	s25 =	simm.s32 $0xE880  }
0x13: {  	s26 =	simm.s32 $0xF080;
	s6 =	sor.u32 s7, s6;
	s22 =	sshrl.u32 s2, $0x1  }
0x14: {  	s7 =	sshll.u32 s6, $0x6;
	s6 =	sshrl.u32 s6, $0x3;
	s2 =	ssub.s32 s2, s22  }
0x15: {  	s22 =	simm.s32 $0xD080;
	s5 =	sadd.s32 s7, s5;
	s4 =	sadd.s32 s4, s6  }
0x16: {  	s6 =	simm.s32 $0x5;
	s7 =	simm.s32 $0x80;
	[dreg:$0x4] =	wrdreg s4  }
0x17: {  	v2 =	vlaneseq.u32;
	s13 =	sadd.s32 $0xA00, s5;
	s14 =	sadd.s32 $0x1A00, s5;
	s4 =	sadd.s32 $0x100, s1  }
0x18: {  	vm0 =	vmmov $0xffff;
	v1 =	vshrl.u32 v2, $0x3;
	s5 =	smax.u32 s2, $0x1;
	s2 =	simm.s32 $0x4;
	[dreg:$0x5] =	wrdreg s13  }
0x19: {  	v0 =	vand.u32 $0x7, v2;
	v2 =	vor.u32 $0x8, v2;
	v1 =	vmul.u32 $0x8, v1;
	[dreg:$0x6] =	wrdreg s14;
	s13 =	simm.s32 $0x8880;
	s14 =	simm.s32 $0x9080  }
.LBB2_1:
0x1a: {  	s0 =	rddreg [dreg:$0x4]  }
0x1b: {  	[tilespmem:s3], [sflag:$0x5] =	stream.linear.gather [hbm4b:s0+s3], $0x80, $0x38;
	[tilespmem:$0x10080] =	vst v63  }
0x1c: {  	_ =	swait.ge [sflag:s6], $0x80  }
0x1d: {  	[sflag:s6] =	ssyncset.done $0x0  }
0x1e: {  	[sflag:s6] =	ssyncadd.s32 $0xFFFFFF80  }
0x1f: {  	v3 =	vld [tilespmem:$0x0];
	_ =	sdelay $0x4  }
0x20: {  	v4 =	vshll.u32 v3, $0x2  }
0x21: {  	v3 =	vand.u32 $0x7, v3;
	v4 =	vand.u32 $0xFFFFFFE0, v4  }
0x22: {  	v3 =	vor.u32 v3, v4  }
0x23: {  	v4 =	vperm.xlane v3, v0;
	_ =	sdelay $0x1  }
0x24: {  	v4 =	vadd.s32 v1, v4;
	_ =	sdelay $0x1  }
0x25: {  	v3 =	vperm.xlane v3, v2;
	_ =	sdelay $0x1  }
0x26: {  	v3 =	vadd.s32 v1, v3  }
0x27: {  	[tilespmem:s7], [sflag:$0x1] =	stream.indirect_vreg.gather [hbm4b:s1+s3], $0x80, v4, vm0, $0xb8;
	[tilespmem:$0x10080] =	vst v63  }
0x28: {  	s0 =	rddreg [dreg:$0x7]  }
0x29: {  	[tilespmem:s0], [sflag:$0x1] =	stream.indirect_vreg.gather [hbm4b:s4+s3], $0x80, v4, vm0, $0xb8;
	[tilespmem:$0x10080] =	vst v63  }
0x2a: {  	s8 =	rddreg [dreg:$0x8]  }
0x2b: {  	[tilespmem:s8], [sflag:$0x1] =	stream.indirect_vreg.gather [hbm4b:s1+s3], $0x80, v3, vm0, $0xb8;
	[tilespmem:$0x10080] =	vst v63  }
0x2c: {  	s0 =	rddreg [dreg:$0x9]  }
0x2d: {  	[tilespmem:s0], [sflag:$0x1] =	stream.indirect_vreg.gather [hbm4b:s4+s3], $0x80, v3, vm0, $0xb8;
	[tilespmem:$0x10080] =	vst v63  }
0x2e: {  	v3 =	vld [tilespmem:$0x10];
	_ =	sdelay $0x4  }
0x2f: {  	v57 =	vshll.u32 v3, $0x2  }
0x30: {  	v3 =	vand.u32 $0x7, v3;
	v4 =	vand.u32 $0xFFFFFFE0, v57  }
0x31: {  	v3 =	vor.u32 v3, v4  }
0x32: {  	v4 =	vperm.xlane v3, v0;
	_ =	sdelay $0x1  }
0x33: {  	v4 =	vadd.s32 v1, v4;
	_ =	sdelay $0x1  }
0x34: {  	v3 =	vperm.xlane v3, v2;
	_ =	sdelay $0x1  }
0x35: {  	s0 =	rddreg [dreg:$0xa];
	v3 =	vadd.s32 v1, v3  }
0x36: {  	[tilespmem:s0], [sflag:$0x1] =	stream.indirect_vreg.gather [hbm4b:s1+s3], $0x80, v4, vm0, $0xb8;
	[tilespmem:$0x10080] =	vst v63  }
0x37: {  	s8 =	rddreg [dreg:$0xb]  }
0x38: {  	[tilespmem:s8], [sflag:$0x1] =	stream.indirect_vreg.gather [hbm4b:s4+s3], $0x80, v4, vm0, $0xb8;
	[tilespmem:$0x10080] =	vst v63  }
0x39: {  	s0 =	rddreg [dreg:$0xc]  }
0x3a: {  	[tilespmem:s0], [sflag:$0x1] =	stream.indirect_vreg.gather [hbm4b:s1+s3], $0x80, v3, vm0, $0xb8;
	[tilespmem:$0x10080] =	vst v63  }
0x3b: {  	s8 =	rddreg [dreg:$0xd]  }
0x3c: {  	[tilespmem:s8], [sflag:$0x1] =	stream.indirect_vreg.gather [hbm4b:s4+s3], $0x80, v3, vm0, $0xb8;
	[tilespmem:$0x10080] =	vst v63  }
0x3d: {  	v3 =	vld [tilespmem:$0x20];
	_ =	sdelay $0x4  }
0x3e: {  	v58 =	vshll.u32 v3, $0x2  }
0x3f: {  	v3 =	vand.u32 $0x7, v3;
	v4 =	vand.u32 $0xFFFFFFE0, v58  }
0x40: {  	v3 =	vor.u32 v3, v4  }
0x41: {  	v4 =	vperm.xlane v3, v0;
	_ =	sdelay $0x1  }
0x42: {  	v4 =	vadd.s32 v1, v4;
	_ =	sdelay $0x1  }
0x43: {  	v3 =	vperm.xlane v3, v2;
	_ =	sdelay $0x1  }
0x44: {  	s0 =	rddreg [dreg:$0xe];
	v3 =	vadd.s32 v1, v3  }
0x45: {  	[tilespmem:s0], [sflag:$0x1] =	stream.indirect_vreg.gather [hbm4b:s1+s3], $0x80, v4, vm0, $0xb8;
	[tilespmem:$0x10080] =	vst v63  }
0x46: {  	s8 =	rddreg [dreg:$0xf]  }
0x47: {  	[tilespmem:s8], [sflag:$0x1] =	stream.indirect_vreg.gather [hbm4b:s4+s3], $0x80, v4, vm0, $0xb8;
	[tilespmem:$0x10080] =	vst v63  }
0x48: {  	s0 =	rddreg [dreg:$0x10]  }
0x49: {  	[tilespmem:s0], [sflag:$0x1] =	stream.indirect_vreg.gather [hbm4b:s1+s3], $0x80, v3, vm0, $0xb8;
	[tilespmem:$0x10080] =	vst v63  }
0x4a: {  	s8 =	rddreg [dreg:$0x11]  }
0x4b: {  	[tilespmem:s8], [sflag:$0x1] =	stream.indirect_vreg.gather [hbm4b:s4+s3], $0x80, v3, vm0, $0xb8;
	[tilespmem:$0x10080] =	vst v63  }
0x4c: {  	v3 =	vld [tilespmem:$0x30];
	_ =	sdelay $0x4  }
0x4d: {  	v59 =	vshll.u32 v3, $0x2  }
0x4e: {  	v3 =	vand.u32 $0x7, v3;
	v4 =	vand.u32 $0xFFFFFFE0, v59  }
0x4f: {  	v3 =	vor.u32 v3, v4  }
0x50: {  	v4 =	vperm.xlane v3, v0;
	_ =	sdelay $0x1  }
0x51: {  	v4 =	vadd.s32 v1, v4;
	_ =	sdelay $0x1  }
0x52: {  	v3 =	vperm.xlane v3, v2;
	_ =	sdelay $0x1  }
0x53: {  	s8 =	simm.s32 $0x6080;
	v3 =	vadd.s32 v1, v3  }
0x54: {  	[tilespmem:s8], [sflag:$0x1] =	stream.indirect_vreg.gather [hbm4b:s1+s3], $0x80, v4, vm0, $0xb8;
	[tilespmem:$0x10080] =	vst v63  }
0x55: {  	_ = 	snop  }
0x56: {  	[tilespmem:s9], [sflag:$0x1] =	stream.indirect_vreg.gather [hbm4b:s4+s3], $0x80, v4, vm0, $0xb8;
	[tilespmem:$0x10080] =	vst v63  }
0x57: {  	_ = 	snop  }
0x58: {  	[tilespmem:s10], [sflag:$0x1] =	stream.indirect_vreg.gather [hbm4b:s1+s3], $0x80, v3, vm0, $0xb8;
	[tilespmem:$0x10080] =	vst v63  }
0x59: {  	_ = 	snop  }
0x5a: {  	[tilespmem:s11], [sflag:$0x1] =	stream.indirect_vreg.gather [hbm4b:s4+s3], $0x80, v3, vm0, $0xb8;
	[tilespmem:$0x10080] =	vst v63  }
0x5b: {  	v3 =	vld [tilespmem:$0x40];
	_ =	sdelay $0x4  }
0x5c: {  	v60 =	vshll.u32 v3, $0x2  }
0x5d: {  	v3 =	vand.u32 $0x7, v3;
	v4 =	vand.u32 $0xFFFFFFE0, v60  }
0x5e: {  	v3 =	vor.u32 v3, v4  }
0x5f: {  	v4 =	vperm.xlane v3, v0;
	_ =	sdelay $0x1  }
0x60: {  	v4 =	vadd.s32 v1, v4;
	_ =	sdelay $0x1  }
0x61: {  	v3 =	vperm.xlane v3, v2;
	_ =	sdelay $0x1  }
0x62: {  	v3 =	vadd.s32 v1, v3  }
0x63: {  	[tilespmem:s12], [sflag:$0x2] =	stream.indirect_vreg.gather [hbm4b:s1+s3], $0x80, v4, vm0, $0xb8;
	[tilespmem:$0x10080] =	vst v63  }
0x64: {  	_ = 	snop  }
0x65: {  	[tilespmem:s13], [sflag:$0x2] =	stream.indirect_vreg.gather [hbm4b:s4+s3], $0x80, v4, vm0, $0xb8;
	[tilespmem:$0x10080] =	vst v63  }
0x66: {  	_ = 	snop  }
0x67: {  	[tilespmem:s14], [sflag:$0x2] =	stream.indirect_vreg.gather [hbm4b:s1+s3], $0x80, v3, vm0, $0xb8;
	[tilespmem:$0x10080] =	vst v63  }
0x68: {  	_ = 	snop  }
0x69: {  	[tilespmem:s15], [sflag:$0x2] =	stream.indirect_vreg.gather [hbm4b:s4+s3], $0x80, v3, vm0, $0xb8;
	[tilespmem:$0x10080] =	vst v63  }
0x6a: {  	v3 =	vld [tilespmem:$0x50];
	_ =	sdelay $0x4  }
0x6b: {  	v61 =	vshll.u32 v3, $0x2  }
0x6c: {  	v3 =	vand.u32 $0x7, v3;
	v4 =	vand.u32 $0xFFFFFFE0, v61  }
0x6d: {  	v3 =	vor.u32 v3, v4  }
0x6e: {  	v4 =	vperm.xlane v3, v0;
	_ =	sdelay $0x1  }
0x6f: {  	v4 =	vadd.s32 v1, v4;
	_ =	sdelay $0x1  }
0x70: {  	v3 =	vperm.xlane v3, v2;
	_ =	sdelay $0x1  }
0x71: {  	v3 =	vadd.s32 v1, v3  }
0x72: {  	[tilespmem:s16], [sflag:$0x2] =	stream.indirect_vreg.gather [hbm4b:s1+s3], $0x80, v4, vm0, $0xb8;
	[tilespmem:$0x10080] =	vst v63  }
0x73: {  	_ = 	snop  }
0x74: {  	[tilespmem:s17], [sflag:$0x2] =	stream.indirect_vreg.gather [hbm4b:s4+s3], $0x80, v4, vm0, $0xb8;
	[tilespmem:$0x10080] =	vst v63  }
0x75: {  	_ = 	snop  }
0x76: {  	[tilespmem:s18], [sflag:$0x2] =	stream.indirect_vreg.gather [hbm4b:s1+s3], $0x80, v3, vm0, $0xb8;
	[tilespmem:$0x10080] =	vst v63  }
0x77: {  	_ = 	snop  }
0x78: {  	[tilespmem:s19], [sflag:$0x2] =	stream.indirect_vreg.gather [hbm4b:s4+s3], $0x80, v3, vm0, $0xb8;
	[tilespmem:$0x10080] =	vst v63  }
0x79: {  	v3 =	vld [tilespmem:$0x60];
	_ =	sdelay $0x4  }
0x7a: {  	v62 =	vshll.u32 v3, $0x2  }
0x7b: {  	v3 =	vand.u32 $0x7, v3;
	v4 =	vand.u32 $0xFFFFFFE0, v62  }
0x7c: {  	v3 =	vor.u32 v3, v4  }
0x7d: {  	v4 =	vperm.xlane v3, v0;
	_ =	sdelay $0x1  }
0x7e: {  	v4 =	vadd.s32 v1, v4;
	_ =	sdelay $0x1  }
0x7f: {  	v3 =	vperm.xlane v3, v2;
	_ =	sdelay $0x1  }
0x80: {  	v3 =	vadd.s32 v1, v3  }
0x81: {  	[tilespmem:s20], [sflag:$0x2] =	stream.indirect_vreg.gather [hbm4b:s1+s3], $0x80, v4, vm0, $0xb8;
	[tilespmem:$0x10080] =	vst v63  }
0x82: {  	_ = 	snop  }
0x83: {  	[tilespmem:s21], [sflag:$0x2] =	stream.indirect_vreg.gather [hbm4b:s4+s3], $0x80, v4, vm0, $0xb8;
	[tilespmem:$0x10080] =	vst v63  }
0x84: {  	_ = 	snop  }
0x85: {  	[tilespmem:s22], [sflag:$0x2] =	stream.indirect_vreg.gather [hbm4b:s1+s3], $0x80, v3, vm0, $0xb8;
	[tilespmem:$0x10080] =	vst v63  }
0x86: {  	_ = 	snop  }
0x87: {  	[tilespmem:s23], [sflag:$0x2] =	stream.indirect_vreg.gather [hbm4b:s4+s3], $0x80, v3, vm0, $0xb8;
	[tilespmem:$0x10080] =	vst v63  }
0x88: {  	v3 =	vld [tilespmem:$0x70];
	_ =	sdelay $0x4  }
0x89: {  	v63 =	vshll.u32 v3, $0x2  }
0x8a: {  	v3 =	vand.u32 $0x7, v3;
	v4 =	vand.u32 $0xFFFFFFE0, v63  }
0x8b: {  	v3 =	vor.u32 v3, v4  }
0x8c: {  	v4 =	vperm.xlane v3, v0;
	_ =	sdelay $0x1  }
0x8d: {  	v4 =	vadd.s32 v1, v4;
	_ =	sdelay $0x1  }
0x8e: {  	v3 =	vperm.xlane v3, v2;
	_ =	sdelay $0x1  }
0x8f: {  	v3 =	vadd.s32 v1, v3  }
0x90: {  	[tilespmem:s24], [sflag:$0x2] =	stream.indirect_vreg.gather [hbm4b:s1+s3], $0x80, v4, vm0, $0xb8;
	[tilespmem:$0x10080] =	vst v63  }
0x91: {  	_ = 	snop  }
0x92: {  	[tilespmem:s25], [sflag:$0x2] =	stream.indirect_vreg.gather [hbm4b:s4+s3], $0x80, v4, vm0, $0xb8;
	[tilespmem:$0x10080] =	vst v63  }
0x93: {  	_ = 	snop  }
0x94: {  	[tilespmem:s26], [sflag:$0x2] =	stream.indirect_vreg.gather [hbm4b:s1+s3], $0x80, v3, vm0, $0xb8;
	[tilespmem:$0x10080] =	vst v63  }
0x95: {  	_ = 	snop  }
0x96: {  	[tilespmem:s28], [sflag:$0x2] =	stream.indirect_vreg.gather [hbm4b:s4+s3], $0x80, v3, vm0, $0xb8;
	[tilespmem:$0x10080] =	vst v63  }
0x97: {  	_ =	swait.ge [sflag:s29], $0x8000  }
0x98: {  	[sflag:s29] =	ssyncset.done $0x0  }
0x99: {  	s8 =	rddreg [dreg:$0x5];
	[sflag:s29] =	ssyncadd.s32 $0xFFFF8000  }
0x9a: {  	[hbm4b:s8+s3] =	stream.linear.scatter [tilespmem:s7], [sflag:$0x3], $0x8000, $0x38;
	[tilespmem:$0x10080] =	vst v63  }
0x9b: {  	_ =	swait.ge [sflag:s30], $0x8000  }
0x9c: {  	[sflag:s30] =	ssyncset.done $0x0  }
0x9d: {  	s8 =	rddreg [dreg:$0x6];
	[sflag:s30] =	ssyncadd.s32 $0xFFFF8000  }
0x9e: {  	[hbm4b:s8+s3] =	stream.linear.scatter [tilespmem:s12], [sflag:$0x4], $0x8000, $0x38;
	[tilespmem:$0x10080] =	vst v63  }
0x9f: {  	p0 =	sne.s32 s5, $0x1;
	_ =	swait.ge [sflag:s31], $0x8000  }
.Ltmp0:
0xa0: {  	[sflag:s31] =	ssyncset.done $0x0;
	(pc) =	sbr.rel @p0 .LBB2_1-.Ltmp0, $4  }
0xa1: {  	[sflag:s31] =	ssyncadd.s32 $0xFFFF8000  }
0xa2: {  	_ =	swait.ge [sflag:s2], $0x8000  }
0xa3: {  	[sflag:s2] =	ssyncset.done $0x0  }
0xa4: {  	s5 =	sadd.s32 $0xFFFFFFFF, s5;
	[sflag:s2] =	ssyncadd.s32 $0xFFFF8000  }
0xa5: {  	_ =	sfence.sel $0x180000  }
0xa6: {  	[bflag:$0x0] =	sbarrier.arrive $0xFFFF  }
0xa7: {  	_ =	strace $0x90000047  }
0xa8: {  	s0 =	stileid.u32;
	[bflag:$0x2] =	sbarrier.arrive $0xFFFF  }
0xa9: {  	p0 =	sne.s32 s0, $0x0;
	s0 =	rddreg [dreg:$0x3]  }
0xaa: {  	s0 =	sadd.s32 @!p0 $0x100000, s0  }
0xab: {  	[sflag:s0] =	ssyncadd.tile.s32 @!p0 $0x1;
	_ =	shalt  }
.Lfunc_end2:
_tile_overlayer_lowered:
.L_overlay_start_2:
0xac: {  	(tag) =	ssettag $0x2  }
0xad: {  	s0 =	rddreg [dreg:$0x0];
	s2 =	stileid.u32  }
0xae: {  	s1 =	rddreg [dreg:$0x1];
	p0 =	sne.s32 s2, $0x0  }
0xaf: {  	s3 =	rddreg [dreg:$0x2];
	[bflag:$0x3] =	sbarrier.arrive $0xFFFF;
	s2 =	simm.s32 @!p0 $0x1C05  }
0xb0: {  	[timem:s3], [sflag:s2] =	dma.local @!p0 [hbm:s0], s1  }
0xb1: {  	s0 =	simm.s32 @!p0 $0x5  }
0xb2: {  	_ =	swait.ge @!p0 [sflag:s0], s1  }
0xb3: {  	s1 =	ssub.s32 @!p0 $0x0, s1;
	[sflag:s0] =	ssyncset.done @!p0 $0x0  }
0xb4: {  	[sflag:s0] =	ssyncadd.s32 @!p0 s1  }
0xb5: {  	[bflag:$0x3] =	sbarrier.arrive $0xFFFF  }
0xb6: {  	_ =	shalt  }

</sc_bundles>
